<compile_context>
chip_gen: v7x
topology: tpu7x:2x2x1
jax: 0.10.2.dev20260603
libtpu: 0.0.44.dev20260713+nightly
codegen_flags: <defaults>
</compile_context>

<pallas_src>
import functools
import math

import jax
import jax.numpy as jnp
from jax import lax
from jax.experimental import pallas as pl
from jax.experimental.pallas import tpu as pltpu
from jax.experimental.pallas import tpu_sc as plsc

L = 2048
D = 768
U = 15615
_TOTAL = L * U
_NW = 32
_RPW = L // _NW
_GRP = 8
_INBUF = 15648
_CBUF = _GRP * L
_NBUF = 4


def _sc_histogram(idx_flat):
    mesh = plsc.VectorSubcoreMesh(
        core_axis_name="c", subcore_axis_name="s", num_cores=2, num_subcores=16
    )

    @functools.partial(
        pl.kernel,
        out_type=jax.ShapeDtypeStruct((L * L,), jnp.float32),
        mesh=mesh,
        compiler_params=pltpu.CompilerParams(
            needs_layout_passes=False, skip_device_barrier=True
        ),
        scratch_types=[
            pltpu.VMEM((_INBUF,), jnp.int32),
            pltpu.VMEM((_INBUF,), jnp.int32),
            pltpu.VMEM((_INBUF,), jnp.int32),
            pltpu.VMEM((_INBUF,), jnp.int32),
            pltpu.VMEM((_CBUF,), jnp.float32),
            pltpu.SemaphoreType.DMA,
            pltpu.SemaphoreType.DMA,
            pltpu.SemaphoreType.DMA,
            pltpu.SemaphoreType.DMA,
        ],
    )
    def hist(idx_hbm, out_hbm, b0, b1, b2, b3, counts, s0, s1, s2, s3):
        wid = lax.axis_index("s") * 2 + lax.axis_index("c")
        base = wid * _RPW
        bufs = (b0, b1, b2, b3)
        sems = (s0, s1, s2, s3)
        ones16 = jnp.ones((16,), jnp.float32)
        zeros16 = jnp.zeros((16,), jnp.float32)
        tail_mask = jnp.arange(16, dtype=jnp.int32) < (U - (U // 16) * 16)

        def row_start(f):
            rs = (base + f) * U
            st = pl.multiple_of(jnp.minimum(rs & -16, _TOTAL - _INBUF), 16)
            return st, rs - st

        def start_copy(f, buf, sem):
            st, _ = row_start(f)
            pltpu.async_copy(idx_hbm.at[pl.ds(st, _INBUF)], buf, sem)

        for k in range(_NBUF):
            start_copy(k, bufs[k], sems[k])

        def process(f, h, buf, sem):
            pltpu.make_async_copy(idx_hbm.at[pl.ds(0, _INBUF)], buf, sem).wait()
            _, off = row_start(f)
            co = h * L

            @plsc.parallel_loop(0, U // 16, unroll=8)
            def _(j):
                iv = buf[pl.ds(off + j * 16, 16)]
                plsc.addupdate_scatter(counts, [iv + co], ones16)

            ivt = buf[pl.ds(off + (U // 16) * 16, 16)]
            plsc.addupdate_scatter(counts, [ivt + co], ones16, mask=tail_mask)

        def group(g, _):
            if True:
                r0 = base + g * _GRP

                @plsc.parallel_loop(0, _CBUF // 16, unroll=8)
                def _(i):
                    counts[pl.ds(i * 16, 16)] = zeros16

                pltpu.sync_copy(counts, out_hbm.at[pl.ds(r0 * L, _CBUF)])
                return 0
            r0 = base + g * _GRP

            @plsc.parallel_loop(0, _CBUF // 16, unroll=8)
            def _(i):
                counts[pl.ds(i * 16, 16)] = zeros16

            for h in range(_GRP):
                f = g * _GRP + h
                k = h % _NBUF
                process(f, h, bufs[k], sems[k])
                start_copy(f + _NBUF, bufs[k], sems[k])
            pltpu.sync_copy(counts, out_hbm.at[pl.ds(r0 * L, _CBUF)])
            return 0

        lax.fori_loop(0, _RPW // _GRP, group, 0)
        for k in range(_NBUF):
            pltpu.make_async_copy(idx_hbm.at[pl.ds(0, _INBUF)], bufs[k], sems[k]).wait()

    return hist(idx_flat).reshape(L, L)


def _tc_qkv(x, wqkv, bqkv, tm=256):
    def body(x_ref, w_ref, b_ref, q_ref, k_ref, v_ref):
        y = (
            jnp.dot(x_ref[...], w_ref[...], preferred_element_type=jnp.float32)
            + b_ref[...]
        )
        q_ref[...] = y[:, :D]
        k_ref[...] = y[:, D : 2 * D]
        v_ref[...] = y[:, 2 * D :]

    out = pl.pallas_call(
        body,
        grid=(L // tm,),
        in_specs=[
            pl.BlockSpec((tm, D), lambda i: (i, 0)),
            pl.BlockSpec((D, 3 * D), lambda i: (0, 0)),
            pl.BlockSpec((1, 3 * D), lambda i: (0, 0)),
        ],
        out_specs=[
            pl.BlockSpec((tm, D), lambda i: (i, 0)),
            pl.BlockSpec((tm, D), lambda i: (i, 0)),
            pl.BlockSpec((tm, D), lambda i: (i, 0)),
        ],
        out_shape=[jax.ShapeDtypeStruct((L, D), jnp.float32)] * 3,
    )(x, wqkv, bqkv)
    return out


def _tc_attn(q, k, v, cnt, x, g1, be1, tm=256):
    inv_sqrt_d = 1.0 / math.sqrt(D)

    def body(q_ref, k_ref, v_ref, c_ref, x_ref, g_ref, b_ref, o_ref):
        s = (
            lax.dot_general(
                q_ref[...],
                k_ref[...],
                (((1,), (1,)), ((), ())),
                preferred_element_type=jnp.float32,
            )
            * inv_sqrt_d
        )
        c = c_ref[...]
        covered = c > 0.0
        cf = covered.astype(jnp.float32)
        mx = jnp.max(jnp.where(covered, s, -1e30), axis=1)
        ws = jnp.sum(c * s, axis=1) * (1.0 / U)
        nc = jnp.sum(cf, axis=1)
        vv = v_ref[...]
        vcov = jnp.dot(cf, vv, preferred_element_type=jnp.float32)
        vtot = jnp.sum(vv, axis=0, keepdims=True)
        em = jnp.exp(ws - mx)
        denom = nc + em * (L - nc)
        z = (vcov + em[:, None] * (vtot - vcov)) / denom[:, None]
        y = x_ref[...] + z
        mu = jnp.mean(y, axis=1, keepdims=True)
        var = jnp.mean((y - mu) ** 2, axis=1, keepdims=True)
        o_ref[...] = (y - mu) * lax.rsqrt(var + 1e-5) * g_ref[...] + b_ref[...]

    return pl.pallas_call(
        body,
        grid=(L // tm,),
        in_specs=[
            pl.BlockSpec((tm, D), lambda i: (i, 0)),
            pl.BlockSpec((L, D), lambda i: (0, 0)),
            pl.BlockSpec((L, D), lambda i: (0, 0)),
            pl.BlockSpec((tm, L), lambda i: (i, 0)),
            pl.BlockSpec((tm, D), lambda i: (i, 0)),
            pl.BlockSpec((1, D), lambda i: (0, 0)),
            pl.BlockSpec((1, D), lambda i: (0, 0)),
        ],
        out_specs=pl.BlockSpec((tm, D), lambda i: (i, 0)),
        out_shape=jax.ShapeDtypeStruct((L, D), jnp.float32),
    )(q, k, v, cnt, x, g1, be1)


def _tc_ffn(x1, w1, b1, w2, b2, g2, be2, tm=256):
    inv_sqrt2 = 1.0 / math.sqrt(2.0)

    def body(x_ref, w1_ref, b1_ref, w2_ref, b2_ref, g_ref, be_ref, o_ref):
        xx = x_ref[...]
        h = (
            jnp.dot(xx, w1_ref[...], preferred_element_type=jnp.float32)
            + b1_ref[...]
        )
        h = 0.5 * h * (1.0 + lax.erf(h * inv_sqrt2))
        y = (
            jnp.dot(h, w2_ref[...], preferred_element_type=jnp.float32)
            + b2_ref[...]
            + xx
        )
        mu = jnp.mean(y, axis=1, keepdims=True)
        var = jnp.mean((y - mu) ** 2, axis=1, keepdims=True)
        o_ref[...] = (y - mu) * lax.rsqrt(var + 1e-5) * g_ref[...] + be_ref[...]

    return pl.pallas_call(
        body,
        grid=(L // tm,),
        in_specs=[
            pl.BlockSpec((tm, D), lambda i: (i, 0)),
            pl.BlockSpec((D, 4 * D), lambda i: (0, 0)),
            pl.BlockSpec((1, 4 * D), lambda i: (0, 0)),
            pl.BlockSpec((4 * D, D), lambda i: (0, 0)),
            pl.BlockSpec((1, D), lambda i: (0, 0)),
            pl.BlockSpec((1, D), lambda i: (0, 0)),
            pl.BlockSpec((1, D), lambda i: (0, 0)),
        ],
        out_specs=pl.BlockSpec((tm, D), lambda i: (i, 0)),
        out_shape=jax.ShapeDtypeStruct((L, D), jnp.float32),
    )(x1, w1, b1, w2, b2, g2, be2)


def kernel(x, idx, Wq, bq, Wk, bk, Wv, bv, W1, b1, W2, b2, g1, be1, g2, be2):
    x2d = x[0]
    cnt = _sc_histogram(idx.reshape(-1))
    wqkv = jnp.concatenate([Wq, Wk, Wv], axis=1)
    bqkv = jnp.concatenate([bq, bk, bv])[None, :]
    q, k, v = _tc_qkv(x2d, wqkv, bqkv)
    x1 = _tc_attn(q, k, v, cnt, x2d, g1[None], be1[None])
    x2 = _tc_ffn(x1, W1, b1[None], W2, b2[None], g2[None], be2[None])
    return x2[None]

# --- scband reference (transcript-rebuilt; emitter-appended) ---
"""Pipeline reference for scband-informer-block-86277303042470 (READ-ONLY COPY).

The authoritative reference and input builder live on the scoring server;
editing this copy changes nothing except your own understanding.
"""

import jax, jax.numpy as jnp
import numpy as np
import math


def _layer_norm(x, g, b, eps=1e-5):
    mu = jnp.mean(x, axis=-1, keepdims=True)
    var = jnp.mean((x - mu) ** 2, axis=-1, keepdims=True)
    return (x - mu) / jnp.sqrt(var + eps) * g + b


def setup_inputs(seed: int = 0):
    key = jax.random.key(seed)
    ks = jax.random.split(key, 12)
    B, L, D = 1, 2048, 768
    u = int(L * math.log(L))  # 15615, matches torch u = Lk*log(Lq)
    x = jax.random.normal(ks[0], (B, L, D), dtype=jnp.float32)
    idx = jax.random.randint(ks[1], (L, u), 0, L)  # sampled key indices (constant)
    s = 1.0 / math.sqrt(D)
    Wq = jax.random.normal(ks[2], (D, D), dtype=jnp.float32) * s
    bq = jnp.zeros((D,), jnp.float32)
    Wk = jax.random.normal(ks[3], (D, D), dtype=jnp.float32) * s
    bk = jnp.zeros((D,), jnp.float32)
    Wv = jax.random.normal(ks[4], (D, D), dtype=jnp.float32) * s
    bv = jnp.zeros((D,), jnp.float32)
    W1 = jax.random.normal(ks[5], (D, 4 * D), dtype=jnp.float32) * s
    b1 = jnp.zeros((4 * D,), jnp.float32)
    W2 = jax.random.normal(ks[6], (4 * D, D), dtype=jnp.float32) * (1.0 / math.sqrt(4 * D))
    b2 = jnp.zeros((D,), jnp.float32)
    g1 = jnp.ones((D,), jnp.float32); be1 = jnp.zeros((D,), jnp.float32)
    g2 = jnp.ones((D,), jnp.float32); be2 = jnp.zeros((D,), jnp.float32)
    return {"x": x, "idx": idx, "Wq": Wq, "bq": bq, "Wk": Wk, "bk": bk,
            "Wv": Wv, "bv": bv, "W1": W1, "b1": b1, "W2": W2, "b2": b2,
            "g1": g1, "be1": be1, "g2": g2, "be2": be2}


def reference(x, idx, Wq, bq, Wk, bk, Wv, bv, W1, b1, W2, b2, g1, be1, g2, be2):
    q = x @ Wq + bq
    k = x @ Wk + bk
    v = x @ Wv + bv
    B, Lq, D = q.shape
    Lk = k.shape[1]
    u = idx.shape[1]
    # full dot-product scores, then gather the sampled-key columns per query row
    S = jnp.einsum('bid,bjd->bij', q, k) / math.sqrt(D)  # [B, Lq, Lk]
    gidx = jnp.broadcast_to(idx[None, :, :], (B, Lq, u))
    tmp = jnp.take_along_axis(S, gidx, axis=2)  # [B, Lq, u]
    mm = jnp.max(tmp, axis=-1) - jnp.mean(tmp, axis=-1)  # [B, Lq]
    # scatter-overwrite mm into a zero score matrix at the sampled positions
    i_grid = jnp.arange(Lq)[:, None]  # [Lq, 1]
    vals = jnp.broadcast_to(mm[:, :, None], (B, Lq, u))
    scores = jnp.zeros((B, Lq, Lk), dtype=x.dtype).at[:, i_grid, idx].set(vals)
    attn = jax.nn.softmax(scores, axis=-1)
    z = attn @ v
    x1 = _layer_norm(x + z, g1, be1)
    h = jax.nn.gelu(x1 @ W1 + b1, approximate=False)
    x2 = _layer_norm(x1 + (h @ W2 + b2), g2, be2)
    return x2

if __name__ == "__main__":
    import jax
    _d = setup_inputs()
    print(jax.jit(kernel)(*tuple(_d.values())))

</pallas_src>

<mosaic_0001>
#map = affine_map<(d0, d1) -> (0)>
module attributes {stable_mosaic.version = 14 : i64} {
  func.func @hist(%arg0: i32, %arg1: i32, %arg2: memref<31979520xi32, #tpu.memory_space<hbm>>, %arg3: memref<4194304xf32, #tpu.memory_space<hbm>>, %arg4: memref<15648xi32, #tpu.memory_space<vmem>>, %arg5: memref<15648xi32, #tpu.memory_space<vmem>>, %arg6: memref<15648xi32, #tpu.memory_space<vmem>>, %arg7: memref<15648xi32, #tpu.memory_space<vmem>>, %arg8: memref<16384xf32, #tpu.memory_space<vmem>>, %arg9: memref<!tpu.dma_semaphore, #tpu.memory_space<semaphore_mem>>, %arg10: memref<!tpu.dma_semaphore, #tpu.memory_space<semaphore_mem>>, %arg11: memref<!tpu.dma_semaphore, #tpu.memory_space<semaphore_mem>>, %arg12: memref<!tpu.dma_semaphore, #tpu.memory_space<semaphore_mem>>) attributes {dimension_semantics = [#tpu.dimension_semantics<core_parallel>, #tpu.dimension_semantics<subcore_parallel>], iteration_bounds = array<i64: 2, 16>, scalar_prefetch = 0 : i64, scratch_operands = 9 : i64, tpu.core_type = #tpu.core_type<sc_vector_subcore>, window_params = [{transform_indices = #map}, {transform_indices = #map}]} {
    %mul3A = arith.constant 2 : i32
    %mul3A_0 = arith.muli %arg1, %mul3A : i32
    %add3A = arith.addi %mul3A_0, %arg0 : i32
    %mul3A_1 = arith.constant 64 : i32
    %mul3A_2 = arith.muli %add3A, %mul3A_1 : i32
    %broadcast_in_dim3A = arith.constant 1.000000e+00 : f32
    %broadcast_in_dim3A_3 = vector.broadcast %broadcast_in_dim3A : f32 to vector<16xf32>
    %broadcast_in_dim3A_4 = arith.constant 0.000000e+00 : f32
    %broadcast_in_dim3A_5 = vector.broadcast %broadcast_in_dim3A_4 : f32 to vector<16xf32>
    %iota3A = tpu.iota {dimensions = array<i32: 0>} : vector<16xi32>
    %lt3A = arith.constant 15 : i32
    %lt3A_6 = vector.broadcast %lt3A : i32 to vector<16xi32>
    %lt3A_7 = arith.cmpi slt, %iota3A, %lt3A_6 : vector<16xi32>
    %add3A_8 = arith.constant 0 : i32
    %add3A_9 = arith.addi %mul3A_2, %add3A_8 : i32
    %mul3A_10 = arith.constant 15615 : i32
    %mul3A_11 = arith.muli %add3A_9, %mul3A_10 : i32
    %and3A = arith.constant -16 : i32
    %and3A_12 = arith.andi %mul3A_11, %and3A : i32
    %min3A = arith.constant 31963872 : i32
    %min3A_13 = arith.minsi %and3A_12, %min3A : i32
    %multiple_of3A = tpu.assume_multiple %min3A_13, 16 : i32
    %sub3A = arith.subi %mul3A_11, %multiple_of3A : i32
    %dma_start3A = tpu.memref_slice %arg2[%multiple_of3A] : memref<31979520xi32, #tpu.memory_space<hbm>> -> memref<15648xi32, #tpu.memory_space<hbm>>
    %dma_start3A_14 = tpu.memref_slice %arg2[%multiple_of3A] : memref<31979520xi32, #tpu.memory_space<hbm>> -> memref<15648xi32, #tpu.memory_space<hbm>>
    tpu.enqueue_dma source(%dma_start3A_14 : memref<15648xi32, #tpu.memory_space<hbm>>) target(%arg4 : memref<15648xi32, #tpu.memory_space<vmem>>) target_semaphore(%arg9 : memref<!tpu.dma_semaphore, #tpu.memory_space<semaphore_mem>>)
    %add3A_15 = arith.constant 1 : i32
    %add3A_16 = arith.addi %mul3A_2, %add3A_15 : i32
    %mul3A_17 = arith.constant 15615 : i32
    %mul3A_18 = arith.muli %add3A_16, %mul3A_17 : i32
    %and3A_19 = arith.constant -16 : i32
    %and3A_20 = arith.andi %mul3A_18, %and3A_19 : i32
    %min3A_21 = arith.constant 31963872 : i32
    %min3A_22 = arith.minsi %and3A_20, %min3A_21 : i32
    %multiple_of3A_23 = tpu.assume_multiple %min3A_22, 16 : i32
    %sub3A_24 = arith.subi %mul3A_18, %multiple_of3A_23 : i32
    %dma_start3A_25 = tpu.memref_slice %arg2[%multiple_of3A_23] : memref<31979520xi32, #tpu.memory_space<hbm>> -> memref<15648xi32, #tpu.memory_space<hbm>>
    %dma_start3A_26 = tpu.memref_slice %arg2[%multiple_of3A_23] : memref<31979520xi32, #tpu.memory_space<hbm>> -> memref<15648xi32, #tpu.memory_space<hbm>>
    tpu.enqueue_dma source(%dma_start3A_26 : memref<15648xi32, #tpu.memory_space<hbm>>) target(%arg5 : memref<15648xi32, #tpu.memory_space<vmem>>) target_semaphore(%arg10 : memref<!tpu.dma_semaphore, #tpu.memory_space<semaphore_mem>>)
    %add3A_27 = arith.constant 2 : i32
    %add3A_28 = arith.addi %mul3A_2, %add3A_27 : i32
    %mul3A_29 = arith.constant 15615 : i32
    %mul3A_30 = arith.muli %add3A_28, %mul3A_29 : i32
    %and3A_31 = arith.constant -16 : i32
    %and3A_32 = arith.andi %mul3A_30, %and3A_31 : i32
    %min3A_33 = arith.constant 31963872 : i32
    %min3A_34 = arith.minsi %and3A_32, %min3A_33 : i32
    %multiple_of3A_35 = tpu.assume_multiple %min3A_34, 16 : i32
    %sub3A_36 = arith.subi %mul3A_30, %multiple_of3A_35 : i32
    %dma_start3A_37 = tpu.memref_slice %arg2[%multiple_of3A_35] : memref<31979520xi32, #tpu.memory_space<hbm>> -> memref<15648xi32, #tpu.memory_space<hbm>>
    %dma_start3A_38 = tpu.memref_slice %arg2[%multiple_of3A_35] : memref<31979520xi32, #tpu.memory_space<hbm>> -> memref<15648xi32, #tpu.memory_space<hbm>>
    tpu.enqueue_dma source(%dma_start3A_38 : memref<15648xi32, #tpu.memory_space<hbm>>) target(%arg6 : memref<15648xi32, #tpu.memory_space<vmem>>) target_semaphore(%arg11 : memref<!tpu.dma_semaphore, #tpu.memory_space<semaphore_mem>>)
    %add3A_39 = arith.constant 3 : i32
    %add3A_40 = arith.addi %mul3A_2, %add3A_39 : i32
    %mul3A_41 = arith.constant 15615 : i32
    %mul3A_42 = arith.muli %add3A_40, %mul3A_41 : i32
    %and3A_43 = arith.constant -16 : i32
    %and3A_44 = arith.andi %mul3A_42, %and3A_43 : i32
    %min3A_45 = arith.constant 31963872 : i32
    %min3A_46 = arith.minsi %and3A_44, %min3A_45 : i32
    %multiple_of3A_47 = tpu.assume_multiple %min3A_46, 16 : i32
    %sub3A_48 = arith.subi %mul3A_42, %multiple_of3A_47 : i32
    %dma_start3A_49 = tpu.memref_slice %arg2[%multiple_of3A_47] : memref<31979520xi32, #tpu.memory_space<hbm>> -> memref<15648xi32, #tpu.memory_space<hbm>>
    %dma_start3A_50 = tpu.memref_slice %arg2[%multiple_of3A_47] : memref<31979520xi32, #tpu.memory_space<hbm>> -> memref<15648xi32, #tpu.memory_space<hbm>>
    tpu.enqueue_dma source(%dma_start3A_50 : memref<15648xi32, #tpu.memory_space<hbm>>) target(%arg7 : memref<15648xi32, #tpu.memory_space<vmem>>) target_semaphore(%arg12 : memref<!tpu.dma_semaphore, #tpu.memory_space<semaphore_mem>>)
    %scan3A = arith.constant 0 : i32
    %scan3A_51 = arith.constant 0 : i32
    %scan3A_52 = arith.constant 8 : i32
    %scan3A_53 = arith.addi %scan3A_51, %scan3A_52 : i32
    %scan3A_54 = arith.constant 1 : i32
    %scan3A_55 = scf.for %scan3A_72 = %scan3A_51 to %scan3A_53 step %scan3A_54 iter_args(%scan3A_73 = %scan3A) -> (i32)  : i32 {
      %mul3A_74 = arith.constant 8 : i32
      %mul3A_75 = arith.muli %scan3A_72, %mul3A_74 : i32
      %add3A_76 = arith.addi %mul3A_2, %mul3A_75 : i32
      %parallel_loop3A = arith.constant 0 : i32
      %parallel_loop3A_77 = arith.constant 1024 : i32
      %parallel_loop3A_78 = arith.constant 1 : i32
      scf.for %parallel_loop3A_82 = %parallel_loop3A to %parallel_loop3A_77 step %parallel_loop3A_78  : i32 {
        %parallel_loop3A_83 = arith.constant 16 : i32
        %parallel_loop3A_84 = arith.muli %parallel_loop3A_82, %parallel_loop3A_83 : i32
        %parallel_loop3A_85 = arith.index_cast %parallel_loop3A_84 : i32 to index
        %parallel_loop3A_86 = tpu.vector_load %arg8[%parallel_loop3A_85] {strides = array<i32>} : memref<16384xf32, #tpu.memory_space<vmem>>, vector<16xf32>,
        tpu.vector_store %arg8[%parallel_loop3A_85], %broadcast_in_dim3A_5 {strides = array<i32>} : memref<16384xf32, #tpu.memory_space<vmem>>, vector<16xf32>,
      } {sc.loop_unroll_factor = 8 : i64, sc.parallel_access}
      %mul3A_79 = arith.constant 2048 : i32
      %mul3A_80 = arith.muli %add3A_76, %mul3A_79 : i32
      "tpu.region"() ({
        %run_scoped3A = tpu.sem_alloc : memref<!tpu.dma_semaphore, #tpu.memory_space<semaphore_mem>>
        %dma_start3A_82 = tpu.memref_slice %arg3[%mul3A_80] : memref<4194304xf32, #tpu.memory_space<hbm>> -> memref<16384xf32, #tpu.memory_space<hbm>>
        %dma_start3A_83 = tpu.memref_slice %arg3[%mul3A_80] : memref<4194304xf32, #tpu.memory_space<hbm>> -> memref<16384xf32, #tpu.memory_space<hbm>>
        tpu.enqueue_dma source(%arg8 : memref<16384xf32, #tpu.memory_space<vmem>>) target(%dma_start3A_83 : memref<16384xf32, #tpu.memory_space<hbm>>) target_semaphore(%run_scoped3A : memref<!tpu.dma_semaphore, #tpu.memory_space<semaphore_mem>>)
        %dma_wait3A_84 = tpu.memref_slice %arg3[%mul3A_80] : memref<4194304xf32, #tpu.memory_space<hbm>> -> memref<16384xf32, #tpu.memory_space<hbm>>
        %dma_wait3A_85 = tpu.memref_slice %arg3[%mul3A_80] : memref<4194304xf32, #tpu.memory_space<hbm>> -> memref<16384xf32, #tpu.memory_space<hbm>>
        tpu.wait_dma2 semaphore(%run_scoped3A : memref<!tpu.dma_semaphore, #tpu.memory_space<semaphore_mem>>) src(%arg8 : memref<16384xf32, #tpu.memory_space<vmem>>) dst(%dma_wait3A_85 : memref<16384xf32, #tpu.memory_space<hbm>>)
        tpu.yield
      }) : () -> ()
      %scan3A_81 = arith.constant 0 : i32
      scf.yield %scan3A_81 : i32
    }
    %scan3A_56 = arith.constant 8 : i32
    %dma_wait3A = arith.constant 0 : i32
    %dma_wait3A_57 = tpu.memref_slice %arg2[%dma_wait3A] : memref<31979520xi32, #tpu.memory_space<hbm>> -> memref<15648xi32, #tpu.memory_space<hbm>>
    %dma_wait3A_58 = arith.constant 0 : i32
    %dma_wait3A_59 = tpu.memref_slice %arg2[%dma_wait3A_58] : memref<31979520xi32, #tpu.memory_space<hbm>> -> memref<15648xi32, #tpu.memory_space<hbm>>
    tpu.wait_dma2 semaphore(%arg9 : memref<!tpu.dma_semaphore, #tpu.memory_space<semaphore_mem>>) src(%dma_wait3A_59 : memref<15648xi32, #tpu.memory_space<hbm>>) dst(%arg4 : memref<15648xi32, #tpu.memory_space<vmem>>)
    %dma_wait3A_60 = arith.constant 0 : i32
    %dma_wait3A_61 = tpu.memref_slice %arg2[%dma_wait3A_60] : memref<31979520xi32, #tpu.memory_space<hbm>> -> memref<15648xi32, #tpu.memory_space<hbm>>
    %dma_wait3A_62 = arith.constant 0 : i32
    %dma_wait3A_63 = tpu.memref_slice %arg2[%dma_wait3A_62] : memref<31979520xi32, #tpu.memory_space<hbm>> -> memref<15648xi32, #tpu.memory_space<hbm>>
    tpu.wait_dma2 semaphore(%arg10 : memref<!tpu.dma_semaphore, #tpu.memory_space<semaphore_mem>>) src(%dma_wait3A_63 : memref<15648xi32, #tpu.memory_space<hbm>>) dst(%arg5 : memref<15648xi32, #tpu.memory_space<vmem>>)
    %dma_wait3A_64 = arith.constant 0 : i32
    %dma_wait3A_65 = tpu.memref_slice %arg2[%dma_wait3A_64] : memref<31979520xi32, #tpu.memory_space<hbm>> -> memref<15648xi32, #tpu.memory_space<hbm>>
    %dma_wait3A_66 = arith.constant 0 : i32
    %dma_wait3A_67 = tpu.memref_slice %arg2[%dma_wait3A_66] : memref<31979520xi32, #tpu.memory_space<hbm>> -> memref<15648xi32, #tpu.memory_space<hbm>>
    tpu.wait_dma2 semaphore(%arg11 : memref<!tpu.dma_semaphore, #tpu.memory_space<semaphore_mem>>) src(%dma_wait3A_67 : memref<15648xi32, #tpu.memory_space<hbm>>) dst(%arg6 : memref<15648xi32, #tpu.memory_space<vmem>>)
    %dma_wait3A_68 = arith.constant 0 : i32
    %dma_wait3A_69 = tpu.memref_slice %arg2[%dma_wait3A_68] : memref<31979520xi32, #tpu.memory_space<hbm>> -> memref<15648xi32, #tpu.memory_space<hbm>>
    %dma_wait3A_70 = arith.constant 0 : i32
    %dma_wait3A_71 = tpu.memref_slice %arg2[%dma_wait3A_70] : memref<31979520xi32, #tpu.memory_space<hbm>> -> memref<15648xi32, #tpu.memory_space<hbm>>
    tpu.wait_dma2 semaphore(%arg12 : memref<!tpu.dma_semaphore, #tpu.memory_space<semaphore_mem>>) src(%dma_wait3A_71 : memref<15648xi32, #tpu.memory_space<hbm>>) dst(%arg7 : memref<15648xi32, #tpu.memory_space<vmem>>)
    return
  }
}

module attributes {stable_mosaic.version = 14 : i64} {
  func.func @body(%arg0: i32, %arg1: memref<256x768xf32, #tpu.memory_space<vmem>>, %arg2: memref<768x2304xf32, #tpu.memory_space<vmem>>, %arg3: memref<1x2304xf32, #tpu.memory_space<vmem>>, %arg4: memref<256x768xf32, #tpu.memory_space<vmem>>, %arg5: memref<256x768xf32, #tpu.memory_space<vmem>>, %arg6: memref<256x768xf32, #tpu.memory_space<vmem>>) attributes {dimension_semantics = [#tpu.dimension_semantics<arbitrary>], iteration_bounds = array<i64: 8>, scalar_prefetch = 0 : i64, scratch_operands = 0 : i64, tpu.core_type = #tpu.core_type<tc>, window_params = [{transform_indices = @transform_0, window_bounds = array<i64: 256, 768>}, {pipeline_mode = #tpu.pipeline_mode<synchronous>, transform_indices = @transform_1, window_bounds = array<i64: 768, 2304>}, {pipeline_mode = #tpu.pipeline_mode<synchronous>, transform_indices = @transform_2, window_bounds = array<i64: 1, 2304>}, {transform_indices = @transform_3, window_bounds = array<i64: 256, 768>}, {transform_indices = @transform_4, window_bounds = array<i64: 256, 768>}, {transform_indices = @transform_5, window_bounds = array<i64: 256, 768>}]} {
    %get3A = arith.constant 0 : index
    %get3A_0 = arith.constant 0 : index
    %get3A_1 = vector.load %arg1[%get3A, %get3A_0] : memref<256x768xf32, #tpu.memory_space<vmem>>, vector<256x768xf32>
    %get3A_2 = arith.constant 0 : index
    %get3A_3 = arith.constant 0 : index
    %get3A_4 = vector.load %arg2[%get3A_2, %get3A_3] : memref<768x2304xf32, #tpu.memory_space<vmem>>, vector<768x2304xf32>
    %dot_general3A = arith.constant dense<0.000000e+00> : vector<256x2304xf32>
    %dot_general3A_5 = tpu.matmul %get3A_1, %get3A_4, %dot_general3A {dimension_numbers = #tpu.dot_dimension_numbers<[1], [0], [0], [1], [0, 0, 1, 1], [], []>, transpose_lhs_hint = false} : vector<256x768xf32>, vector<768x2304xf32>, vector<256x2304xf32> -> vector<256x2304xf32>
    %get3A_6 = arith.constant 0 : index
    %get3A_7 = arith.constant 0 : index
    %get3A_8 = vector.load %arg3[%get3A_6, %get3A_7] : memref<1x2304xf32, #tpu.memory_space<vmem>>, vector<1x2304xf32>
    %add3A = vector.broadcast %get3A_8 : vector<1x2304xf32> to vector<256x2304xf32>
    %add3A_9 = arith.addf %dot_general3A_5, %add3A : vector<256x2304xf32>
    %slice3A = vector.extract_strided_slice %add3A_9 {offsets = [0, 0], sizes = [256, 768], strides = [1, 1]} : vector<256x2304xf32> to vector<256x768xf32>
    %swap3A = arith.constant 0 : index
    %swap3A_10 = arith.constant 0 : index
    %swap3A_11 = vector.load %arg4[%swap3A, %swap3A_10] : memref<256x768xf32, #tpu.memory_space<vmem>>, vector<256x768xf32>
    tpu.vector_store %arg4[%swap3A, %swap3A_10], %slice3A {strides = array<i32>} : memref<256x768xf32, #tpu.memory_space<vmem>>, vector<256x768xf32>,
    %slice3A_12 = vector.extract_strided_slice %add3A_9 {offsets = [0, 768], sizes = [256, 768], strides = [1, 1]} : vector<256x2304xf32> to vector<256x768xf32>
    %swap3A_13 = arith.constant 0 : index
    %swap3A_14 = arith.constant 0 : index
    %swap3A_15 = vector.load %arg5[%swap3A_13, %swap3A_14] : memref<256x768xf32, #tpu.memory_space<vmem>>, vector<256x768xf32>
    tpu.vector_store %arg5[%swap3A_13, %swap3A_14], %slice3A_12 {strides = array<i32>} : memref<256x768xf32, #tpu.memory_space<vmem>>, vector<256x768xf32>,
    %slice3A_16 = vector.extract_strided_slice %add3A_9 {offsets = [0, 1536], sizes = [256, 768], strides = [1, 1]} : vector<256x2304xf32> to vector<256x768xf32>
    %swap3A_17 = arith.constant 0 : index
    %swap3A_18 = arith.constant 0 : index
    %swap3A_19 = vector.load %arg6[%swap3A_17, %swap3A_18] : memref<256x768xf32, #tpu.memory_space<vmem>>, vector<256x768xf32>
    tpu.vector_store %arg6[%swap3A_17, %swap3A_18], %slice3A_16 {strides = array<i32>} : memref<256x768xf32, #tpu.memory_space<vmem>>, vector<256x768xf32>,
    return
  }
  func.func @transform_0(%arg0: i32) -> (i32, i32) {
    %c0_i32 = arith.constant 0 : i32
    %c0_i32_0 = arith.constant 0 : i32
    return %arg0, %c0_i32 : i32, i32
  }
  func.func @transform_1(%arg0: i32) -> (i32, i32) {
    %c0_i32 = arith.constant 0 : i32
    %c0_i32_0 = arith.constant 0 : i32
    %c0_i32_1 = arith.constant 0 : i32
    return %c0_i32, %c0_i32_0 : i32, i32
  }
  func.func @transform_2(%arg0: i32) -> (i32, i32) {
    %c0_i32 = arith.constant 0 : i32
    %c0_i32_0 = arith.constant 0 : i32
    %c0_i32_1 = arith.constant 0 : i32
    return %c0_i32, %c0_i32_0 : i32, i32
  }
  func.func @transform_3(%arg0: i32) -> (i32, i32) {
    %c0_i32 = arith.constant 0 : i32
    %c0_i32_0 = arith.constant 0 : i32
    return %arg0, %c0_i32 : i32, i32
  }
  func.func @transform_4(%arg0: i32) -> (i32, i32) {
    %c0_i32 = arith.constant 0 : i32
    %c0_i32_0 = arith.constant 0 : i32
    return %arg0, %c0_i32 : i32, i32
  }
  func.func @transform_5(%arg0: i32) -> (i32, i32) {
    %c0_i32 = arith.constant 0 : i32
    %c0_i32_0 = arith.constant 0 : i32
    return %arg0, %c0_i32 : i32, i32
  }
}

module attributes {stable_mosaic.version = 14 : i64} {
  func.func @body(%arg0: i32, %arg1: memref<256x768xf32, #tpu.memory_space<vmem>>, %arg2: memref<2048x768xf32, #tpu.memory_space<vmem>>, %arg3: memref<2048x768xf32, #tpu.memory_space<vmem>>, %arg4: memref<256x2048xf32, #tpu.memory_space<vmem>>, %arg5: memref<256x768xf32, #tpu.memory_space<vmem>>, %arg6: memref<1x768xf32, #tpu.memory_space<vmem>>, %arg7: memref<1x768xf32, #tpu.memory_space<vmem>>, %arg8: memref<256x768xf32, #tpu.memory_space<vmem>>) attributes {dimension_semantics = [#tpu.dimension_semantics<arbitrary>], iteration_bounds = array<i64: 8>, scalar_prefetch = 0 : i64, scratch_operands = 0 : i64, tpu.core_type = #tpu.core_type<tc>, window_params = [{transform_indices = @transform_0, window_bounds = array<i64: 256, 768>}, {pipeline_mode = #tpu.pipeline_mode<synchronous>, transform_indices = @transform_1, window_bounds = array<i64: 2048, 768>}, {pipeline_mode = #tpu.pipeline_mode<synchronous>, transform_indices = @transform_2, window_bounds = array<i64: 2048, 768>}, {transform_indices = @transform_3, window_bounds = array<i64: 256, 2048>}, {transform_indices = @transform_4, window_bounds = array<i64: 256, 768>}, {pipeline_mode = #tpu.pipeline_mode<synchronous>, transform_indices = @transform_5, window_bounds = array<i64: 1, 768>}, {pipeline_mode = #tpu.pipeline_mode<synchronous>, transform_indices = @transform_6, window_bounds = array<i64: 1, 768>}, {transform_indices = @transform_7, window_bounds = array<i64: 256, 768>}]} {
    %get3A = arith.constant 0 : index
    %get3A_0 = arith.constant 0 : index
    %get3A_1 = vector.load %arg1[%get3A, %get3A_0] : memref<256x768xf32, #tpu.memory_space<vmem>>, vector<256x768xf32>
    %get3A_2 = arith.constant 0 : index
    %get3A_3 = arith.constant 0 : index
    %get3A_4 = vector.load %arg2[%get3A_2, %get3A_3] : memref<2048x768xf32, #tpu.memory_space<vmem>>, vector<2048x768xf32>
    %dot_general3A = arith.constant dense<0.000000e+00> : vector<256x2048xf32>
    %dot_general3A_5 = tpu.matmul %get3A_1, %get3A_4, %dot_general3A {dimension_numbers = #tpu.dot_dimension_numbers<[1], [1], [0], [0], [0, 0, 1, 0], [], []>, transpose_lhs_hint = false} : vector<256x768xf32>, vector<2048x768xf32>, vector<256x2048xf32> -> vector<256x2048xf32>
    %mul3A = arith.constant 0.0360843912 : f32
    %mul3A_6 = vector.broadcast %mul3A : f32 to vector<256x2048xf32>
    %mul3A_7 = arith.mulf %dot_general3A_5, %mul3A_6 : vector<256x2048xf32>
    %get3A_8 = arith.constant 0 : index
    %get3A_9 = arith.constant 0 : index
    %get3A_10 = vector.load %arg4[%get3A_8, %get3A_9] : memref<256x2048xf32, #tpu.memory_space<vmem>>, vector<256x2048xf32>
    %gt3A = arith.constant 0.000000e+00 : f32
    %gt3A_11 = vector.broadcast %gt3A : f32 to vector<256x2048xf32>
    %gt3A_12 = arith.cmpf ogt, %get3A_10, %gt3A_11 : vector<256x2048xf32>
    %convert_element_type3A = arith.extui %gt3A_12 : vector<256x2048xi1> to vector<256x2048xi32>
    %convert_element_type3A_13 = arith.sitofp %convert_element_type3A : vector<256x2048xi32> to vector<256x2048xf32>
    %jit3A = arith.constant -1.000000e+30 : f32
    %broadcast_in_dim3A = vector.broadcast %jit3A : f32 to vector<256x2048xf32>
    %select_n3A = arith.select %gt3A_12, %mul3A_7, %broadcast_in_dim3A : vector<256x2048xi1>, vector<256x2048xf32>
    %reduce_max3A = arith.constant dense<0xFF800000> : vector<256xf32>
    %reduce_max3A_14 = vector.multi_reduction <maximumf>, %select_n3A, %reduce_max3A [1] : vector<256x2048xf32> to vector<256xf32>
    %mul3A_15 = arith.mulf %get3A_10, %mul3A_7 : vector<256x2048xf32>
    %reduce_sum3A = arith.constant dense<0.000000e+00> : vector<256xf32>
    %reduce_sum3A_16 = vector.multi_reduction <add>, %mul3A_15, %reduce_sum3A [1] : vector<256x2048xf32> to vector<256xf32>
    %mul3A_17 = arith.constant 6.40409853E-5 : f32
    %mul3A_18 = vector.broadcast %mul3A_17 : f32 to vector<256xf32>
    %mul3A_19 = arith.mulf %reduce_sum3A_16, %mul3A_18 : vector<256xf32>
    %reduce_sum3A_20 = arith.constant dense<0.000000e+00> : vector<256xf32>
    %reduce_sum3A_21 = vector.multi_reduction <add>, %convert_element_type3A_13, %reduce_sum3A_20 [1] : vector<256x2048xf32> to vector<256xf32>
    %get3A_22 = arith.constant 0 : index
    %get3A_23 = arith.constant 0 : index
    %get3A_24 = vector.load %arg3[%get3A_22, %get3A_23] : memref<2048x768xf32, #tpu.memory_space<vmem>>, vector<2048x768xf32>
    %dot_general3A_25 = arith.constant dense<0.000000e+00> : vector<256x768xf32>
    %dot_general3A_26 = tpu.matmul %convert_element_type3A_13, %get3A_24, %dot_general3A_25 {dimension_numbers = #tpu.dot_dimension_numbers<[1], [0], [0], [1], [0, 0, 1, 1], [], []>, transpose_lhs_hint = false} : vector<256x2048xf32>, vector<2048x768xf32>, vector<256x768xf32> -> vector<256x768xf32>
    %reduce_sum3A_27 = arith.constant dense<0.000000e+00> : vector<768xf32>
    %reduce_sum3A_28 = vector.multi_reduction <add>, %get3A_24, %reduce_sum3A_27 [0] : vector<2048x768xf32> to vector<768xf32>
    %broadcast_in_dim3A_29 = vector.shape_cast %reduce_sum3A_28 : vector<768xf32> to vector<1x768xf32>
    %sub3A = arith.subf %mul3A_19, %reduce_max3A_14 : vector<256xf32>
    %exp3A = math.exp %sub3A : vector<256xf32>
    %sub3A_30 = arith.constant 2.048000e+03 : f32
    %sub3A_31 = vector.broadcast %sub3A_30 : f32 to vector<256xf32>
    %sub3A_32 = arith.subf %sub3A_31, %reduce_sum3A_21 : vector<256xf32>
    %mul3A_33 = arith.mulf %exp3A, %sub3A_32 : vector<256xf32>
    %add3A = arith.addf %reduce_sum3A_21, %mul3A_33 : vector<256xf32>
    %broadcast_in_dim3A_34 = vector.shape_cast %exp3A : vector<256xf32> to vector<256x1xf32>
    %sub3A_35 = vector.broadcast %broadcast_in_dim3A_29 : vector<1x768xf32> to vector<256x768xf32>
    %sub3A_36 = arith.subf %sub3A_35, %dot_general3A_26 : vector<256x768xf32>
    %mul3A_37 = vector.broadcast %broadcast_in_dim3A_34 : vector<256x1xf32> to vector<256x768xf32>
    %mul3A_38 = arith.mulf %mul3A_37, %sub3A_36 : vector<256x768xf32>
    %add3A_39 = arith.addf %dot_general3A_26, %mul3A_38 : vector<256x768xf32>
    %broadcast_in_dim3A_40 = vector.shape_cast %add3A : vector<256xf32> to vector<256x1xf32>
    %div3A = vector.broadcast %broadcast_in_dim3A_40 : vector<256x1xf32> to vector<256x768xf32>
    %div3A_41 = arith.divf %add3A_39, %div3A : vector<256x768xf32>
    %get3A_42 = arith.constant 0 : index
    %get3A_43 = arith.constant 0 : index
    %get3A_44 = vector.load %arg5[%get3A_42, %get3A_43] : memref<256x768xf32, #tpu.memory_space<vmem>>, vector<256x768xf32>
    %add3A_45 = arith.addf %get3A_44, %div3A_41 : vector<256x768xf32>
    %reduce_sum3A_46 = arith.constant dense<0.000000e+00> : vector<256xf32>
    %reduce_sum3A_47 = vector.multi_reduction <add>, %add3A_45, %reduce_sum3A_46 [1] : vector<256x768xf32> to vector<256xf32>
    %broadcast_in_dim3A_48 = vector.shape_cast %reduce_sum3A_47 : vector<256xf32> to vector<256x1xf32>
    %div3A_49 = arith.constant 7.680000e+02 : f32
    %div3A_50 = vector.broadcast %div3A_49 : f32 to vector<256x1xf32>
    %div3A_51 = arith.divf %broadcast_in_dim3A_48, %div3A_50 : vector<256x1xf32>
    %sub3A_52 = vector.broadcast %div3A_51 : vector<256x1xf32> to vector<256x768xf32>
    %sub3A_53 = arith.subf %add3A_45, %sub3A_52 : vector<256x768xf32>
    %integer_pow3A = arith.mulf %sub3A_53, %sub3A_53 : vector<256x768xf32>
    %reduce_sum3A_54 = arith.constant dense<0.000000e+00> : vector<256xf32>
    %reduce_sum3A_55 = vector.multi_reduction <add>, %integer_pow3A, %reduce_sum3A_54 [1] : vector<256x768xf32> to vector<256xf32>
    %broadcast_in_dim3A_56 = vector.shape_cast %reduce_sum3A_55 : vector<256xf32> to vector<256x1xf32>
    %div3A_57 = arith.constant 7.680000e+02 : f32
    %div3A_58 = vector.broadcast %div3A_57 : f32 to vector<256x1xf32>
    %div3A_59 = arith.divf %broadcast_in_dim3A_56, %div3A_58 : vector<256x1xf32>
    %sub3A_60 = vector.broadcast %div3A_51 : vector<256x1xf32> to vector<256x768xf32>
    %sub3A_61 = arith.subf %add3A_45, %sub3A_60 : vector<256x768xf32>
    %add3A_62 = arith.constant 9.99999974E-6 : f32
    %add3A_63 = vector.broadcast %add3A_62 : f32 to vector<256x1xf32>
    %add3A_64 = arith.addf %div3A_59, %add3A_63 : vector<256x1xf32>
    %rsqrt3A = math.rsqrt %add3A_64 : vector<256x1xf32>
    %mul3A_65 = vector.broadcast %rsqrt3A : vector<256x1xf32> to vector<256x768xf32>
    %mul3A_66 = arith.mulf %sub3A_61, %mul3A_65 : vector<256x768xf32>
    %get3A_67 = arith.constant 0 : index
    %get3A_68 = arith.constant 0 : index
    %get3A_69 = vector.load %arg6[%get3A_67, %get3A_68] : memref<1x768xf32, #tpu.memory_space<vmem>>, vector<1x768xf32>
    %mul3A_70 = vector.broadcast %get3A_69 : vector<1x768xf32> to vector<256x768xf32>
    %mul3A_71 = arith.mulf %mul3A_66, %mul3A_70 : vector<256x768xf32>
    %get3A_72 = arith.constant 0 : index
    %get3A_73 = arith.constant 0 : index
    %get3A_74 = vector.load %arg7[%get3A_72, %get3A_73] : memref<1x768xf32, #tpu.memory_space<vmem>>, vector<1x768xf32>
    %add3A_75 = vector.broadcast %get3A_74 : vector<1x768xf32> to vector<256x768xf32>
    %add3A_76 = arith.addf %mul3A_71, %add3A_75 : vector<256x768xf32>
    %swap3A = arith.constant 0 : index
    %swap3A_77 = arith.constant 0 : index
    %swap3A_78 = vector.load %arg8[%swap3A, %swap3A_77] : memref<256x768xf32, #tpu.memory_space<vmem>>, vector<256x768xf32>
    tpu.vector_store %arg8[%swap3A, %swap3A_77], %add3A_76 {strides = array<i32>} : memref<256x768xf32, #tpu.memory_space<vmem>>, vector<256x768xf32>,
    return
  }
  func.func @transform_0(%arg0: i32) -> (i32, i32) {
    %c0_i32 = arith.constant 0 : i32
    %c0_i32_0 = arith.constant 0 : i32
    return %arg0, %c0_i32 : i32, i32
  }
  func.func @transform_1(%arg0: i32) -> (i32, i32) {
    %c0_i32 = arith.constant 0 : i32
    %c0_i32_0 = arith.constant 0 : i32
    %c0_i32_1 = arith.constant 0 : i32
    return %c0_i32, %c0_i32_0 : i32, i32
  }
  func.func @transform_2(%arg0: i32) -> (i32, i32) {
    %c0_i32 = arith.constant 0 : i32
    %c0_i32_0 = arith.constant 0 : i32
    %c0_i32_1 = arith.constant 0 : i32
    return %c0_i32, %c0_i32_0 : i32, i32
  }
  func.func @transform_3(%arg0: i32) -> (i32, i32) {
    %c0_i32 = arith.constant 0 : i32
    %c0_i32_0 = arith.constant 0 : i32
    return %arg0, %c0_i32 : i32, i32
  }
  func.func @transform_4(%arg0: i32) -> (i32, i32) {
    %c0_i32 = arith.constant 0 : i32
    %c0_i32_0 = arith.constant 0 : i32
    return %arg0, %c0_i32 : i32, i32
  }
  func.func @transform_5(%arg0: i32) -> (i32, i32) {
    %c0_i32 = arith.constant 0 : i32
    %c0_i32_0 = arith.constant 0 : i32
    %c0_i32_1 = arith.constant 0 : i32
    return %c0_i32, %c0_i32_0 : i32, i32
  }
  func.func @transform_6(%arg0: i32) -> (i32, i32) {
    %c0_i32 = arith.constant 0 : i32
    %c0_i32_0 = arith.constant 0 : i32
    %c0_i32_1 = arith.constant 0 : i32
    return %c0_i32, %c0_i32_0 : i32, i32
  }
  func.func @transform_7(%arg0: i32) -> (i32, i32) {
    %c0_i32 = arith.constant 0 : i32
    %c0_i32_0 = arith.constant 0 : i32
    return %arg0, %c0_i32 : i32, i32
  }
}

module attributes {stable_mosaic.version = 14 : i64} {
  func.func @body(%arg0: i32, %arg1: memref<256x768xf32, #tpu.memory_space<vmem>>, %arg2: memref<768x3072xf32, #tpu.memory_space<vmem>>, %arg3: memref<1x3072xf32, #tpu.memory_space<vmem>>, %arg4: memref<3072x768xf32, #tpu.memory_space<vmem>>, %arg5: memref<1x768xf32, #tpu.memory_space<vmem>>, %arg6: memref<1x768xf32, #tpu.memory_space<vmem>>, %arg7: memref<1x768xf32, #tpu.memory_space<vmem>>, %arg8: memref<256x768xf32, #tpu.memory_space<vmem>>) attributes {dimension_semantics = [#tpu.dimension_semantics<arbitrary>], iteration_bounds = array<i64: 8>, scalar_prefetch = 0 : i64, scratch_operands = 0 : i64, tpu.core_type = #tpu.core_type<tc>, window_params = [{transform_indices = @transform_0, window_bounds = array<i64: 256, 768>}, {pipeline_mode = #tpu.pipeline_mode<synchronous>, transform_indices = @transform_1, window_bounds = array<i64: 768, 3072>}, {pipeline_mode = #tpu.pipeline_mode<synchronous>, transform_indices = @transform_2, window_bounds = array<i64: 1, 3072>}, {pipeline_mode = #tpu.pipeline_mode<synchronous>, transform_indices = @transform_3, window_bounds = array<i64: 3072, 768>}, {pipeline_mode = #tpu.pipeline_mode<synchronous>, transform_indices = @transform_4, window_bounds = array<i64: 1, 768>}, {pipeline_mode = #tpu.pipeline_mode<synchronous>, transform_indices = @transform_5, window_bounds = array<i64: 1, 768>}, {pipeline_mode = #tpu.pipeline_mode<synchronous>, transform_indices = @transform_6, window_bounds = array<i64: 1, 768>}, {transform_indices = @transform_7, window_bounds = array<i64: 256, 768>}]} {
    %get3A = arith.constant 0 : index
    %get3A_0 = arith.constant 0 : index
    %get3A_1 = vector.load %arg1[%get3A, %get3A_0] : memref<256x768xf32, #tpu.memory_space<vmem>>, vector<256x768xf32>
    %get3A_2 = arith.constant 0 : index
    %get3A_3 = arith.constant 0 : index
    %get3A_4 = vector.load %arg2[%get3A_2, %get3A_3] : memref<768x3072xf32, #tpu.memory_space<vmem>>, vector<768x3072xf32>
    %dot_general3A = arith.constant dense<0.000000e+00> : vector<256x3072xf32>
    %dot_general3A_5 = tpu.matmul %get3A_1, %get3A_4, %dot_general3A {dimension_numbers = #tpu.dot_dimension_numbers<[1], [0], [0], [1], [0, 0, 1, 1], [], []>, transpose_lhs_hint = false} : vector<256x768xf32>, vector<768x3072xf32>, vector<256x3072xf32> -> vector<256x3072xf32>
    %get3A_6 = arith.constant 0 : index
    %get3A_7 = arith.constant 0 : index
    %get3A_8 = vector.load %arg3[%get3A_6, %get3A_7] : memref<1x3072xf32, #tpu.memory_space<vmem>>, vector<1x3072xf32>
    %add3A = vector.broadcast %get3A_8 : vector<1x3072xf32> to vector<256x3072xf32>
    %add3A_9 = arith.addf %dot_general3A_5, %add3A : vector<256x3072xf32>
    %mul3A = arith.constant 5.000000e-01 : f32
    %mul3A_10 = vector.broadcast %mul3A : f32 to vector<256x3072xf32>
    %mul3A_11 = arith.mulf %mul3A_10, %add3A_9 : vector<256x3072xf32>
    %mul3A_12 = arith.constant 0.707106769 : f32
    %mul3A_13 = vector.broadcast %mul3A_12 : f32 to vector<256x3072xf32>
    %mul3A_14 = arith.mulf %add3A_9, %mul3A_13 : vector<256x3072xf32>
    %erf3A = math.erf %mul3A_14 : vector<256x3072xf32>
    %add3A_15 = arith.constant 1.000000e+00 : f32
    %add3A_16 = vector.broadcast %add3A_15 : f32 to vector<256x3072xf32>
    %add3A_17 = arith.addf %add3A_16, %erf3A : vector<256x3072xf32>
    %mul3A_18 = arith.mulf %mul3A_11, %add3A_17 : vector<256x3072xf32>
    %get3A_19 = arith.constant 0 : index
    %get3A_20 = arith.constant 0 : index
    %get3A_21 = vector.load %arg4[%get3A_19, %get3A_20] : memref<3072x768xf32, #tpu.memory_space<vmem>>, vector<3072x768xf32>
    %dot_general3A_22 = arith.constant dense<0.000000e+00> : vector<256x768xf32>
    %dot_general3A_23 = tpu.matmul %mul3A_18, %get3A_21, %dot_general3A_22 {dimension_numbers = #tpu.dot_dimension_numbers<[1], [0], [0], [1], [0, 0, 1, 1], [], []>, transpose_lhs_hint = false} : vector<256x3072xf32>, vector<3072x768xf32>, vector<256x768xf32> -> vector<256x768xf32>
    %get3A_24 = arith.constant 0 : index
    %get3A_25 = arith.constant 0 : index
    %get3A_26 = vector.load %arg5[%get3A_24, %get3A_25] : memref<1x768xf32, #tpu.memory_space<vmem>>, vector<1x768xf32>
    %add3A_27 = vector.broadcast %get3A_26 : vector<1x768xf32> to vector<256x768xf32>
    %add3A_28 = arith.addf %dot_general3A_23, %add3A_27 : vector<256x768xf32>
    %add3A_29 = arith.addf %add3A_28, %get3A_1 : vector<256x768xf32>
    %reduce_sum3A = arith.constant dense<0.000000e+00> : vector<256xf32>
    %reduce_sum3A_30 = vector.multi_reduction <add>, %add3A_29, %reduce_sum3A [1] : vector<256x768xf32> to vector<256xf32>
    %broadcast_in_dim3A = vector.shape_cast %reduce_sum3A_30 : vector<256xf32> to vector<256x1xf32>
    %div3A = arith.constant 7.680000e+02 : f32
    %div3A_31 = vector.broadcast %div3A : f32 to vector<256x1xf32>
    %div3A_32 = arith.divf %broadcast_in_dim3A, %div3A_31 : vector<256x1xf32>
    %sub3A = vector.broadcast %div3A_32 : vector<256x1xf32> to vector<256x768xf32>
    %sub3A_33 = arith.subf %add3A_29, %sub3A : vector<256x768xf32>
    %integer_pow3A = arith.mulf %sub3A_33, %sub3A_33 : vector<256x768xf32>
    %reduce_sum3A_34 = arith.constant dense<0.000000e+00> : vector<256xf32>
    %reduce_sum3A_35 = vector.multi_reduction <add>, %integer_pow3A, %reduce_sum3A_34 [1] : vector<256x768xf32> to vector<256xf32>
    %broadcast_in_dim3A_36 = vector.shape_cast %reduce_sum3A_35 : vector<256xf32> to vector<256x1xf32>
    %div3A_37 = arith.constant 7.680000e+02 : f32
    %div3A_38 = vector.broadcast %div3A_37 : f32 to vector<256x1xf32>
    %div3A_39 = arith.divf %broadcast_in_dim3A_36, %div3A_38 : vector<256x1xf32>
    %sub3A_40 = vector.broadcast %div3A_32 : vector<256x1xf32> to vector<256x768xf32>
    %sub3A_41 = arith.subf %add3A_29, %sub3A_40 : vector<256x768xf32>
    %add3A_42 = arith.constant 9.99999974E-6 : f32
    %add3A_43 = vector.broadcast %add3A_42 : f32 to vector<256x1xf32>
    %add3A_44 = arith.addf %div3A_39, %add3A_43 : vector<256x1xf32>
    %rsqrt3A = math.rsqrt %add3A_44 : vector<256x1xf32>
    %mul3A_45 = vector.broadcast %rsqrt3A : vector<256x1xf32> to vector<256x768xf32>
    %mul3A_46 = arith.mulf %sub3A_41, %mul3A_45 : vector<256x768xf32>
    %get3A_47 = arith.constant 0 : index
    %get3A_48 = arith.constant 0 : index
    %get3A_49 = vector.load %arg6[%get3A_47, %get3A_48] : memref<1x768xf32, #tpu.memory_space<vmem>>, vector<1x768xf32>
    %mul3A_50 = vector.broadcast %get3A_49 : vector<1x768xf32> to vector<256x768xf32>
    %mul3A_51 = arith.mulf %mul3A_46, %mul3A_50 : vector<256x768xf32>
    %get3A_52 = arith.constant 0 : index
    %get3A_53 = arith.constant 0 : index
    %get3A_54 = vector.load %arg7[%get3A_52, %get3A_53] : memref<1x768xf32, #tpu.memory_space<vmem>>, vector<1x768xf32>
    %add3A_55 = vector.broadcast %get3A_54 : vector<1x768xf32> to vector<256x768xf32>
    %add3A_56 = arith.addf %mul3A_51, %add3A_55 : vector<256x768xf32>
    %swap3A = arith.constant 0 : index
    %swap3A_57 = arith.constant 0 : index
    %swap3A_58 = vector.load %arg8[%swap3A, %swap3A_57] : memref<256x768xf32, #tpu.memory_space<vmem>>, vector<256x768xf32>
    tpu.vector_store %arg8[%swap3A, %swap3A_57], %add3A_56 {strides = array<i32>} : memref<256x768xf32, #tpu.memory_space<vmem>>, vector<256x768xf32>,
    return
  }
  func.func @transform_0(%arg0: i32) -> (i32, i32) {
    %c0_i32 = arith.constant 0 : i32
    %c0_i32_0 = arith.constant 0 : i32
    return %arg0, %c0_i32 : i32, i32
  }
  func.func @transform_1(%arg0: i32) -> (i32, i32) {
    %c0_i32 = arith.constant 0 : i32
    %c0_i32_0 = arith.constant 0 : i32
    %c0_i32_1 = arith.constant 0 : i32
    return %c0_i32, %c0_i32_0 : i32, i32
  }
  func.func @transform_2(%arg0: i32) -> (i32, i32) {
    %c0_i32 = arith.constant 0 : i32
    %c0_i32_0 = arith.constant 0 : i32
    %c0_i32_1 = arith.constant 0 : i32
    return %c0_i32, %c0_i32_0 : i32, i32
  }
  func.func @transform_3(%arg0: i32) -> (i32, i32) {
    %c0_i32 = arith.constant 0 : i32
    %c0_i32_0 = arith.constant 0 : i32
    %c0_i32_1 = arith.constant 0 : i32
    return %c0_i32, %c0_i32_0 : i32, i32
  }
  func.func @transform_4(%arg0: i32) -> (i32, i32) {
    %c0_i32 = arith.constant 0 : i32
    %c0_i32_0 = arith.constant 0 : i32
    %c0_i32_1 = arith.constant 0 : i32
    return %c0_i32, %c0_i32_0 : i32, i32
  }
  func.func @transform_5(%arg0: i32) -> (i32, i32) {
    %c0_i32 = arith.constant 0 : i32
    %c0_i32_0 = arith.constant 0 : i32
    %c0_i32_1 = arith.constant 0 : i32
    return %c0_i32, %c0_i32_0 : i32, i32
  }
  func.func @transform_6(%arg0: i32) -> (i32, i32) {
    %c0_i32 = arith.constant 0 : i32
    %c0_i32_0 = arith.constant 0 : i32
    %c0_i32_1 = arith.constant 0 : i32
    return %c0_i32, %c0_i32_0 : i32, i32
  }
  func.func @transform_7(%arg0: i32) -> (i32, i32) {
    %c0_i32 = arith.constant 0 : i32
    %c0_i32_0 = arith.constant 0 : i32
    return %arg0, %c0_i32 : i32, i32
  }
}

</mosaic_0001>

<sc_bundles>
// kernel: kernel.6.cloned.1.call-start
scs
__scs_entry_jumppad:
0x0: {  	(pc) =	sbr.rel $0x88, $3  }
0x1: {  	(tag) =	ssettag $0x0;
	lr =	simm.s32 $0x1  }
0x2: {  	[smem:$0x3F91] =	sst lr;
	_ =	strace $0xD0000000  }
0x3: {  	_ = 	snop  }
0x4: {  	_ = 	snop  }
0x5: {  	_ = 	snop  }
0x6: {  	_ = 	snop  }
0x7: {  	_ = 	snop  }
__scs_overlays_trampoline_lowered:
0x8: {  	[smem:$0x3FA0] =	sst s0  }
0x9: {  	[smem:$0x3FA1] =	sst s1  }
0xa: {  	[smem:$0x3FA2] =	sst s2  }
0xb: {  	[smem:$0x3FA3] =	sst s3  }
0xc: {  	[smem:$0x3FA4] =	sst s4  }
0xd: {  	[smem:$0x3FA5] =	sst s5  }
0xe: {  	[smem:$0x3FA6] =	sst s6  }
0xf: {  	[smem:$0x3FA7] =	sst s7  }
0x10: {  	[smem:$0x3FA8] =	sst s8  }
0x11: {  	[smem:$0x3FA9] =	sst s9;
	s0 =	simm.s32 @!p0 $0x0  }
0x12: {  	s1 =	sld [smem:$0x3F8F];
	s0 =	simm.s32 @p0 $0x1  }
0x13: {  	[smem:$0x3FAA] =	sst s0;
	s0 =	simm.s32 @!p1 $0x0  }
0x14: {  	s2 =	sld [smem:$0x3F8E];
	s0 =	simm.s32 @p1 $0x1  }
0x15: {  	[smem:$0x3FAB] =	sst s0;
	s0 =	simm.s32 @!p2 $0x0  }
0x16: {  	s3 =	sld [smem:$0x3FDB];
	s0 =	simm.s32 @p2 $0x1  }
0x17: {  	s4 =	simm.s32 $0x1BF5;
	[smem:$0x3FAD] =	sst s0  }
0x18: {  	s0 =	sld [smem:$0x3F90];
	_ =	swait.ge [sflag:s4], $0x0  }
0x19: {  	s7 =	sld [smem:$0x3F91]  }
0x1a: {  	s8 =	sadd.s32 $0xFFFFE003, lr  }
0x1b: {  	s9 =	sadd.s32 $0xFFFFFEF7, lr;
	s5 =	simm.s32 $0xFFFFFFFF;
	p2 =	slt.u32 s8, $0xFFFFF086  }
0x1c: {  	p1 =	slt.u32 s9, $0xF7A;
	s5 =	simm.s32 @!p2 $0x0  }
0x1d: {  	s5 =	simm.s32 @p1 $0x1;
	p0 =	seq.s32 s7, s2  }
0x1e: {  	s7 =	smul.u32 @!p0 $0xF7A, s2;
	p2 =	seq.s32 @!p0 s5, $0x0  }
0x1f: {  	s9 =	smul.u32 $0xF7A, s1;
	s8 =	simm.s32 @!p0 $0x1BF5;
	p2 =	por !p2, p0  }
0x20: {  	[sflag:s8] =	ssyncset.s32 @!p0 $0xFFFFF086;
	s6 =	sadd.s32 @!p0 s3, s7;
	s7 =	simm.s32 @!p0 $0x108  }
0x21: {  	s3 =	sadd.s32 s3, s9;
	s6 =	sadd.s32 @!p0 $0x88, s6;
	s7 =	simm.s32 @p2 $0x1082  }
0x22: {  	[simem:s7], [sflag:s8] =	dma.local @!p0 [hbm:s6], $0xF7A  }
0x23: {  	s9 =	sor.u32 $0xD0000000, s2;
	s6 =	simm.s32 $0x108;
	_ =	swait.ge @!p0 [sflag:s8], $0x0  }
0x24: {  	s3 =	sadd.s32 $0x88, s3;
	s6 =	simm.s32 @!p1 $0x1082;
	[sflag:s4] =	ssyncset.s32 $0xFFFFF086  }
0x25: {  	[simem:s6], [sflag:s4] =	dma.local [hbm:s3], $0xF7A  }
0x26: {  	[smem:$0x3F91] =	sst s1;
	(tag) =	ssettag s2;
	_ =	strace s9  }
0x27: {  	s1 =	sld [smem:$0x3FA1]  }
0x28: {  	s2 =	sld [smem:$0x3FA2]  }
0x29: {  	s4 =	sld [smem:$0x3FA4]  }
0x2a: {  	p0 =	seq.s32 s5, $0x0;
	s5 =	sld [smem:$0x3FA5]  }
0x2b: {  	s6 =	sld [smem:$0x3FA6]  }
0x2c: {  	s7 =	sld [smem:$0x3FA7]  }
0x2d: {  	s3 =	simm.s32 $0x108;
	s8 =	sld [smem:$0x3FA8]  }
0x2e: {  	s3 =	simm.s32 @!p0 $0x1082;
	s9 =	sld [smem:$0x3FA9]  }
0x2f: {  	lr =	sadd.s32 s0, s3;
	s0 =	sld [smem:$0x3FA0]  }
0x30: {  	s3 =	sld [smem:$0x3FA3]  }
0x31: {  	[smem:$0x3FAC] =	sst s10  }
0x32: {  	s10 =	sld [smem:$0x3FAA];
	_ =	sdelay $0x3  }
0x33: {  	p0 =	seq.s32 s10, $0x1;
	s10 =	sld [smem:$0x3FAC];
	_ =	sdelay $0x3  }
0x34: {  	[smem:$0x3FAC] =	sst s10  }
0x35: {  	s10 =	sld [smem:$0x3FAB];
	_ =	sdelay $0x3  }
0x36: {  	p1 =	seq.s32 s10, $0x1;
	s10 =	sld [smem:$0x3FAC];
	_ =	sdelay $0x3  }
0x37: {  	[smem:$0x3FAC] =	sst s10  }
0x38: {  	s10 =	sld [smem:$0x3FAD]  }
0x39: {  	_ = 	snop;
	(pc) =	sbr.ind lr, $3  }
0x3a: {  	_ = 	snop  }
0x3b: {  	_ = 	snop  }
0x3c: {  	p2 =	seq.s32 s10, $0x1;
	s10 =	sld [smem:$0x3FAC]  }
0x3d: {  	_ =	shalt  }
0x3e: {  	_ =	shalt  }
0x3f: {  	_ =	shalt  }
0x40: {  	_ =	shalt  }
0x41: {  	_ =	shalt  }
0x42: {  	_ =	shalt  }
0x43: {  	_ =	shalt  }
0x44: {  	_ =	shalt  }
0x45: {  	_ =	shalt  }
0x46: {  	_ =	shalt  }
0x47: {  	_ =	shalt  }
0x48: {  	_ =	shalt  }
0x49: {  	_ =	shalt  }
0x4a: {  	_ =	shalt  }
0x4b: {  	_ =	shalt  }
0x4c: {  	_ =	shalt  }
0x4d: {  	_ =	shalt  }
0x4e: {  	_ =	shalt  }
0x4f: {  	_ =	shalt  }
0x50: {  	_ =	shalt  }
0x51: {  	_ =	shalt  }
0x52: {  	_ =	shalt  }
0x53: {  	_ =	shalt  }
0x54: {  	_ =	shalt  }
0x55: {  	_ =	shalt  }
0x56: {  	_ =	shalt  }
0x57: {  	_ =	shalt  }
0x58: {  	_ =	shalt  }
0x59: {  	_ =	shalt  }
0x5a: {  	_ =	shalt  }
0x5b: {  	_ =	shalt  }
0x5c: {  	_ =	shalt  }
0x5d: {  	_ =	shalt  }
0x5e: {  	_ =	shalt  }
0x5f: {  	_ =	shalt  }
0x60: {  	_ =	shalt  }
0x61: {  	_ =	shalt  }
0x62: {  	_ =	shalt  }
0x63: {  	_ =	shalt  }
0x64: {  	_ =	shalt  }
0x65: {  	_ =	shalt  }
0x66: {  	_ =	shalt  }
0x67: {  	_ =	shalt  }
0x68: {  	_ =	shalt  }
0x69: {  	_ =	shalt  }
0x6a: {  	_ =	shalt  }
0x6b: {  	_ =	shalt  }
0x6c: {  	_ =	shalt  }
0x6d: {  	_ =	shalt  }
0x6e: {  	_ =	shalt  }
0x6f: {  	_ =	shalt  }
0x70: {  	_ =	shalt  }
0x71: {  	_ =	shalt  }
0x72: {  	_ =	shalt  }
0x73: {  	_ =	shalt  }
0x74: {  	_ =	shalt  }
0x75: {  	_ =	shalt  }
0x76: {  	_ =	shalt  }
0x77: {  	_ =	shalt  }
0x78: {  	_ =	shalt  }
0x79: {  	_ =	shalt  }
0x7a: {  	_ =	shalt  }
0x7b: {  	_ =	shalt  }
0x7c: {  	_ =	shalt  }
0x7d: {  	_ =	shalt  }
0x7e: {  	_ =	shalt  }
0x7f: {  	_ =	shalt  }
0x80: {  	_ =	shalt  }
0x81: {  	_ =	shalt  }
0x82: {  	_ =	shalt  }
0x83: {  	_ =	shalt  }
0x84: {  	_ =	shalt  }
0x85: {  	_ =	shalt  }
0x86: {  	_ =	shalt  }
0x87: {  	_ =	shalt  }
.Lfunc_end0:
.L_simem_size_0:
called_computation_lowered:
.L_overlay_start_0:
0x88: {  	s2 =	sld [smem:$0x3FD9]  }
0x89: {  	s3 =	sld [smem:$0x3FFE];
	_ =	sdelay $0x1  }
0x8a: {  	s1 =	srdreg.scid  }
0x8b: {  	s0 =	sand.u32 $0x1, s1  }
0x8c: {  	s16 =	sshll.u32 s0, $0xA;
	s2 =	sadd.s32 s3, s2  }
0x8d: {  	s2 =	sadd.s32 s2, s16  }
0x8e: {  	[smem:$0x3FB8] =	sst s2  }
0x8f: {  	_ = 	snop  }
0x90: {  	(tm) =	ssettm $0x1  }
0x91: {  	s17 =	sld [smem:$0x3FFB];
	_ =	sdelay $0x3  }
0x92: {  	_ =	strace s17  }
0x93: {  	s2 =	sld [smem:$0x3FFC];
	_ =	sdelay $0x3  }
0x94: {  	_ =	strace s2  }
0x95: {  	s2 =	sld [smem:$0x3FFD];
	_ =	sdelay $0x3  }
0x96: {  	_ =	strace s2  }
0x97: {  	_ =	strace $0x8FFFFFFF  }
0x98: {  	s18 =	sld [smem:$0x3FDB];
	_ =	sdelay $0x1  }
0x99: {  	s19 =	simm.s32 $_scs_section_size  }
0x9a: {  	s4 =	simm.s32 $_size__tile_overlayer_lowered;
	s5 =	simm.s32 $_tile_overlayer_lowered  }
0x9b: {  	s22 =	simm.s32 $0x1BFF;
	s21 =	sshll.u32 s5, $0x1;
	s2 =	sadd.s32 s19, s18  }
0x9c: {  	s6 =	simm.s32 $0x0;
	s20 =	sshll.u32 s4, $0x1;
	s4 =	sadd.s32 s21, s2  }
0x9d: {  	[timem:s6], [sflag:s22] =	dma.local [hbm:s4], s20  }
0x9e: {  	_ =	swait.ge [sflag:s22], s20  }
0x9f: {  	s3 =	ssub.s32 $0x0, s20;
	[sflag:s22] =	ssyncset.done $0x0  }
0xa0: {  	[sflag:s22] =	ssyncadd.s32 s3;
	_ =	sdelay $0x1  }
0xa1: {  	s23 =	simm.s32 $0x1B8B  }
0xa2: {  	_ =	swait.ge [sflag:s23], $0x1  }
0xa3: {  	[sflag:s23] =	ssyncset.done $0x0  }
0xa4: {  	s25 =	simm.s32 $0x1B8E;
	s24 =	sld [smem:$0x3FFE];
	[sflag:s23] =	ssyncadd.s32 $0xFFFFFFFF  }
0xa5: {  	s26 =	simm.s32 $execute0_lowered;
	[smem:$0x3FD2] =	sst s25  }
0xa6: {  	s4 =	sshll.u32 s26, $0x1;
	_ =	strace $0x80000046;
	[dreg:$0x1] =	wrdreg $0xFFFFFFFF  }
0xa7: {  	s28 =	simm.s32 $_size_execute0_lowered;
	s2 =	sadd.s32 s2, s4;
	[dreg:$0x0] =	wrdreg $0x0  }
0xa8: {  	s4 =	sshll.u32 s28, $0x1;
	[dreg:$0x2] =	wrdreg s2  }
0xa9: {  	[dreg:$0x3] =	wrdreg s4  }
0xaa: {  	[dreg:$0x4] =	wrdreg $0xC0  }
0xab: {  	_ =	task [dreg:s6], $0x5FFFF  }
0xac: {  	[dreg:$0x1] =	wrdreg $0xFFFFFFFF  }
0xad: {  	[dreg:$0x0] =	wrdreg $0x60  }
0xae: {  	[dreg:$0x2] =	wrdreg s24  }
0xaf: {  	[dreg:$0x3] =	wrdreg $0x9  }
0xb0: {  	_ =	task.clear_ibuf [dreg:s6], $0x4FFFF;
	_ =	strace $0x90000046  }
0xb1: {  	s29 =	simm.s32 $0x9;
	_ =	strace $0x80000048  }
0xb2: {  	_ =	swait.ge [sflag:s29], $0x1  }
0xb3: {  	[sflag:s29] =	ssyncadd.s32 $0xFFFFFFFF  }
0xb4: {  	_ =	strace $0x90000048  }
0xb5: {  	_ =	sfence  }
0xb6: {  	s30 =	sld [smem:$0x0];
	_ =	sdelay $0x2  }
0xb7: {  	s31 =	sshll.u32 s1, $0xD;
	s1 =	sshrl.u32 s1, $0x2  }
0xb8: {  	s3 =	sand.u32 $0x4000, s31;
	s1 =	sadd.s32 s1, s30  }
0xb9: {  	s0 =	sor.u32 s3, s0;
	s1 =	sshll.u32 s1, $0x11  }
0xba: {  	s0 =	sor.u32 s1, s0  }
0xbb: {  	s0 =	sadd.s32 $0x8F2B, s0  }
0xbc: {  	[sflag:s0] =	ssyncadd.remote.s32 $0x1  }
0xbd: {  	_ =	sfence.sel $0xFFFF  }
0xbe: {  	[dreg:$0x0] =	wrdreg $0xFFFFFFFF;
	(pc) =	sbr.abs _section_cstart, $3  }
0xbf: {  	[dreg:$0x1] =	wrdreg $0xFFFFFFFF  }
0xc0: {  	_ =	task.clear_ibuf [dreg:s6], $0x2FFFF;
	_ =	strace $0x9FFFFFFF  }
0xc1: {  	(tm) =	ssettm $0x7FFFFFFF  }
tec
execute0_lowered:
.L_overlay_start_1:
0x0: {  	(tag) =	ssettag $0x1  }
0x1: {  	s1 =	srdreg.scid  }
0x2: {  	s0 =	stileid.u32;
	s4 =	rddreg [dreg:$0x0];
	s2 =	simm.s32 $0x0  }
0x3: {  	s10 =	simm.s32 $0x7B00;
	s11 =	simm.s32 $0xB880;
	s12 =	simm.s32 $0xF600  }
0x4: {  	s13 =	simm.s32 $0x5;
	s14 =	simm.s32 $0x1;
	s15 =	simm.s32 $0x2  }
0x5: {  	s16 =	simm.s32 $0x3;
	s3 =	sand.u32 $0x1, s1;
	s31 =	sshll.u32 s0, $0x1  }
0x6: {  	s17 =	simm.s32 $0x4;
	s1 =	rddreg [dreg:$0x1];
	s5 =	sor.u32 s3, s31  }
0x7: {  	s18 =	simm.s32 $0x0;
	[smem:$0x7FF] =	sst s2;
	s6 =	smul.u32 $0xF3FC0, s5  }
0x8: {  	_ =	strace $0x80000047;
	s3 =	ssub.s32 $0x2, s3;
	s5 =	sshll.u32 s5, $0xE  }
0x9: {  	s7 =	sshrl.u32 s3, $0x1;
	s8 =	sadd.s32 s5, s4;
	s6 =	sshrl.u32 s6, $0x3  }
0xa: {  	s9 =	ssub.s32 s3, s7;
	s7 =	sadd.s32 $0x3D3600, s8;
	s6 =	sadd.s32 s6, s4  }
0xb: {  	s8 =	smax.u32 s9, $0x1;
	s9 =	simm.s32 $0x3D80;
	s3 =	sadd.s32 $0x3600, s6  }
0xc: {  	v0 =	vimm.f32 $0.0e+00;
	s4 =	sadd.s32 $0x3D9E, s6;
	s5 =	sadd.s32 $0x453E, s6;
	s6 =	sadd.s32 $0x4CDE, s6  }
.LBB2_1:
0xd: {  	[tilespmem:s2], [sflag:$0x1] =	stream.linear.gather [hbm4b:s3+s2], $0x3D20, $0x38;
	[tilespmem:$0x13600] =	vst v63  }
0xe: {  	_ = 	snop  }
0xf: {  	[tilespmem:s9], [sflag:$0x2] =	stream.linear.gather [hbm4b:s4+s2], $0x3D20, $0x38;
	[tilespmem:$0x13600] =	vst v63  }
0x10: {  	_ = 	snop  }
0x11: {  	[tilespmem:s10], [sflag:$0x3] =	stream.linear.gather [hbm4b:s5+s2], $0x3D20, $0x38;
	[tilespmem:$0x13600] =	vst v63  }
0x12: {  	s19 =	simm.s32 $0x0  }
0x13: {  	[tilespmem:s11], [sflag:$0x4] =	stream.linear.gather [hbm4b:s6+s2], $0x3D20, $0x38;
	[tilespmem:$0x13600] =	vst v63  }
.LBB2_2:
0x14: {  	s20 =	simm.s32 $0xF640  }
0x15: {  	[tilespmem:s20+$0xFFFFFFC0] =	vst v0  }
0x16: {  	[tilespmem:s20+$0x30] =	vst v0  }
0x17: {  	[tilespmem:s20+$0x20] =	vst v0  }
0x18: {  	[tilespmem:s20+$0x10] =	vst v0  }
0x19: {  	[tilespmem:s20+$0x0] =	vst v0  }
0x1a: {  	[tilespmem:s20+$0xFFFFFFF0] =	vst v0  }
0x1b: {  	s21 =	simm.s32 $0x0;
	[tilespmem:s20+$0xFFFFFFE0] =	vst v0  }
.LBB2_3:
0x1c: {  	s21 =	sadd.s32 $0x8, s21;
	[tilespmem:s20+$0xFFFFFFD0] =	vst v0;
	s20 =	sadd.s32 $0x80, s20  }
0x1d: {  	[tilespmem:s20+$0xFFFFFFC0] =	vst v0;
	p0 =	slt.u32 s21, $0x3F8  }
0x1e: {  	[tilespmem:s20+$0x30] =	vst v0  }
.Ltmp0:
0x1f: {  	[tilespmem:s20+$0x20] =	vst v0;
	(pc) =	sbr.rel @p0 .LBB2_3-.Ltmp0, $4  }
0x20: {  	[tilespmem:s20+$0x10] =	vst v0  }
0x21: {  	[tilespmem:s20+$0x0] =	vst v0  }
0x22: {  	[tilespmem:s20+$0xFFFFFFF0] =	vst v0  }
0x23: {  	[tilespmem:s20+$0xFFFFFFE0] =	vst v0  }
0x24: {  	s21 =	sshll.u32 s19, $0xB;
	s19 =	sadd.s32 $0x1, s19  }
0x25: {  	p0 =	sne.s32 s19, $0x8  }
.Ltmp1:
0x26: {  	[tilespmem:s20+$0xFFFFFFD0] =	vst v0;
	s31 =	sadd.s32 s21, s7;
	(pc) =	sbr.rel @p0 .LBB2_2-.Ltmp1, $4  }
0x27: {  	[hbm4b:s31+s2] =	stream.linear.scatter [tilespmem:s12], [sflag:$0x5], $0x4000, $0x38;
	[tilespmem:$0x13600] =	vst v63  }
0x28: {  	_ =	swait.ge [sflag:s13], $0x4000  }
0x29: {  	[sflag:s13] =	ssyncset.done $0x0  }
0x2a: {  	[sflag:s13] =	ssyncadd.s32 $0xFFFFC000  }
0x2b: {  	_ =	swait.ge [sflag:s14], $0x3D20  }
0x2c: {  	[sflag:s14] =	ssyncset.done $0x0  }
0x2d: {  	[sflag:s14] =	ssyncadd.s32 $0xFFFFC2E0  }
0x2e: {  	_ =	swait.ge [sflag:s15], $0x3D20  }
0x2f: {  	[sflag:s15] =	ssyncset.done $0x0  }
0x30: {  	s18 =	sadd.s32 $0x1, s18;
	[sflag:s15] =	ssyncadd.s32 $0xFFFFC2E0  }
0x31: {  	p0 =	sne.s32 s18, s8;
	_ =	swait.ge [sflag:s16], $0x3D20  }
.Ltmp2:
0x32: {  	[sflag:s16] =	ssyncset.done $0x0;
	(pc) =	sbr.rel @p0 .LBB2_1-.Ltmp2, $4  }
0x33: {  	[sflag:s16] =	ssyncadd.s32 $0xFFFFC2E0  }
0x34: {  	_ =	swait.ge [sflag:s17], $0x3D20  }
0x35: {  	[sflag:s17] =	ssyncset.done $0x0  }
0x36: {  	[sflag:s17] =	ssyncadd.s32 $0xFFFFC2E0  }
0x37: {  	_ =	sfence.sel $0x180000  }
0x38: {  	[bflag:$0x0] =	sbarrier.arrive $0xFFFF  }
0x39: {  	p0 =	sne.s32 s0, $0x0;
	_ =	strace $0x90000047  }
0x3a: {  	s0 =	sadd.s32 @!p0 $0x100000, s1;
	[bflag:$0x2] =	sbarrier.arrive $0xFFFF  }
0x3b: {  	[sflag:s0] =	ssyncadd.tile.s32 @!p0 $0x1;
	_ =	shalt  }
.Lfunc_end2:
_tile_overlayer_lowered:
.L_overlay_start_2:
0x3c: {  	(tag) =	ssettag $0x2  }
0x3d: {  	s0 =	rddreg [dreg:$0x0];
	s2 =	stileid.u32  }
0x3e: {  	s1 =	rddreg [dreg:$0x1];
	p0 =	sne.s32 s2, $0x0  }
0x3f: {  	s3 =	rddreg [dreg:$0x2];
	[bflag:$0x3] =	sbarrier.arrive $0xFFFF;
	s2 =	simm.s32 @!p0 $0x1C05  }
0x40: {  	[timem:s3], [sflag:s2] =	dma.local @!p0 [hbm:s0], s1  }
0x41: {  	s0 =	simm.s32 @!p0 $0x5  }
0x42: {  	_ =	swait.ge @!p0 [sflag:s0], s1  }
0x43: {  	s1 =	ssub.s32 @!p0 $0x0, s1;
	[sflag:s0] =	ssyncset.done @!p0 $0x0  }
0x44: {  	[sflag:s0] =	ssyncadd.s32 @!p0 s1  }
0x45: {  	[bflag:$0x3] =	sbarrier.arrive $0xFFFF  }
0x46: {  	_ =	shalt  }

</sc_bundles>
